<compile_context>
chip_gen: v7x
topology: tpu7x:2x2x1
jax: 0.10.2.dev20260603
libtpu: 0.0.44.dev20260713+nightly
codegen_flags: <defaults>
</compile_context>

<pallas_src>
import functools

import jax
import jax.numpy as jnp
from jax import lax
from jax.experimental import pallas as pl
from jax.experimental.pallas import tpu as pltpu
from jax.experimental.pallas import tpu_sc as plsc

_MAX_LEN = 200
_OBS = 128
_NC = 2
_NS = 16
_LANES = 16


def _zero_body(buf_ref, mask_ref):
    buf_ref[...] = jnp.zeros_like(buf_ref)
    pos = lax.broadcasted_iota(jnp.int32, mask_ref.shape, 1)
    mask_ref[...] = pos >= _MAX_LEN - 1


def _zero_fill(batch, dtype):
    bblk = 64
    return pl.pallas_call(
        _zero_body,
        grid=(batch // bblk,),
        in_specs=[],
        out_specs=[
            pl.BlockSpec((bblk, _MAX_LEN, _OBS), lambda i: (i, 0, 0)),
            pl.BlockSpec((1, _MAX_LEN), lambda i: (0, 0)),
        ],
        out_shape=[
            jax.ShapeDtypeStruct((batch, _MAX_LEN, _OBS), dtype),
            jax.ShapeDtypeStruct((1, _MAX_LEN), jnp.bool_),
        ],
        compiler_params=pltpu.CompilerParams(
            dimension_semantics=("parallel",),
        ),
    )()


def _make_sc_scatter(batch):
    nw = _NC * _NS
    b_per_w = batch // nw
    mesh = plsc.VectorSubcoreMesh(
        core_axis_name="c", subcore_axis_name="s",
        num_cores=_NC, num_subcores=_NS,
    )

    @functools.partial(
        pl.kernel,
        mesh=mesh,
        out_type=(),
        scratch_types=[
            pltpu.VMEM((b_per_w, _OBS), jnp.float32),
            pltpu.VMEM((b_per_w,), jnp.int32),
            pltpu.SemaphoreType.DMA,
            pltpu.SemaphoreType.DMA,
        ],
    )
    def sc_scatter(x_hbm, buf_ref, rows_v, idx_v, sem, sem2):
        wid = lax.axis_index("s") * _NC + lax.axis_index("c")
        base = wid * b_per_w
        stage = pltpu.async_copy(x_hbm.at[pl.ds(base, b_per_w)], rows_v, sem2)
        lane = lax.iota(jnp.int32, _LANES)
        for j in range(b_per_w // _LANES):
            idx_v[pl.ds(j * _LANES, _LANES)] = (
                base + j * _LANES + lane) * _MAX_LEN
        stage.wait()
        pltpu.async_copy(rows_v, buf_ref.at[idx_v], sem).wait()

    return sc_scatter


def kernel(x):
    batch = x.shape[0]
    buf, mask = _zero_fill(batch, x.dtype)
    buf_ref = jax.new_ref(buf.reshape(batch * _MAX_LEN, _OBS))
    _make_sc_scatter(batch)(x, buf_ref)
    out = buf_ref[...].reshape(batch, _MAX_LEN, _OBS)
    return out, mask[0]

# --- scband reference (transcript-rebuilt; emitter-appended) ---
"""Pipeline reference for scband-obs-deque-15341623181484 (READ-ONLY COPY).

The authoritative reference and input builder live on the scoring server;
editing this copy changes nothing except your own understanding.
"""

import jax, jax.numpy as jnp
import numpy as np

MAX_LEN = 200
OBS_SIZE = 128

def setup_inputs(seed: int = 0) -> dict:
    key = jax.random.key(seed)
    x = jax.random.normal(key, (4096, OBS_SIZE), dtype=jnp.float32)
    return {"x": x}

def reference(x):
    # Faithful translation of ObsDeque.forward on a freshly-constructed module
    # called with batch_size != 1 (the buffer-reinit path is taken):
    #   - buffer is reallocated as zeros[B, max_len, obs_size]
    #   - current_pos reset to 0, padded_len = max_len
    #   - padded_len decremented to max_len - 1
    #   - x written (scatter-overwrite) at ring position 0
    #   - seq_mask marks non-padded (valid) positions
    batch_size = x.shape[0]
    buffer = jnp.zeros((batch_size, MAX_LEN, OBS_SIZE), dtype=x.dtype)
    padded_len = MAX_LEN - 1
    pos = 0
    buffer = buffer.at[:, pos, :].set(x)
    seq_mask = jnp.arange(MAX_LEN) >= padded_len
    return buffer, seq_mask

if __name__ == "__main__":
    import jax
    _d = setup_inputs()
    print(jax.jit(kernel)(*tuple(_d.values())))

</pallas_src>

<mosaic_0001>
#map = affine_map<(d0, d1) -> (0, 0)>
module attributes {stable_mosaic.version = 14 : i64} {
  func.func @new_body(%arg0: i32, %arg1: i32, %arg2: memref<4096x128xf32, #tpu.memory_space<hbm>>, %arg3: memref<819200x128xf32, #tpu.memory_space<hbm>>, %arg4: memref<819200x128xf32, #tpu.memory_space<hbm>>, %arg5: memref<128x128xf32, #tpu.memory_space<vmem>>, %arg6: memref<128xi32, #tpu.memory_space<vmem>>, %arg7: memref<!tpu.dma_semaphore, #tpu.memory_space<semaphore_mem>>, %arg8: memref<!tpu.dma_semaphore, #tpu.memory_space<semaphore_mem>>) attributes {dimension_semantics = [#tpu.dimension_semantics<core_parallel>, #tpu.dimension_semantics<subcore_parallel>], iteration_bounds = array<i64: 2, 16>, scalar_prefetch = 0 : i64, scratch_operands = 4 : i64, tpu.core_type = #tpu.core_type<sc_vector_subcore>, window_params = [{transform_indices = #map}, {transform_indices = #map}, {transform_indices = #map}]} {
    %mul3A = arith.constant 2 : i32
    %mul3A_0 = arith.muli %arg1, %mul3A : i32
    %add3A = arith.addi %mul3A_0, %arg0 : i32
    %mul3A_1 = arith.constant 128 : i32
    %mul3A_2 = arith.muli %add3A, %mul3A_1 : i32
    %dma_start3A = arith.constant 0 : i32
    %dma_start3A_3 = tpu.memref_slice %arg2[%mul3A_2, %dma_start3A] : memref<4096x128xf32, #tpu.memory_space<hbm>> -> memref<128x128xf32, #tpu.memory_space<hbm>>
    %dma_start3A_4 = arith.constant 0 : i32
    %dma_start3A_5 = tpu.memref_slice %arg2[%mul3A_2, %dma_start3A_4] : memref<4096x128xf32, #tpu.memory_space<hbm>> -> memref<128x128xf32, #tpu.memory_space<hbm>>
    tpu.enqueue_dma source(%dma_start3A_5 : memref<128x128xf32, #tpu.memory_space<hbm>>) target(%arg5 : memref<128x128xf32, #tpu.memory_space<vmem>>) target_semaphore(%arg8 : memref<!tpu.dma_semaphore, #tpu.memory_space<semaphore_mem>>)
    %iota3A = tpu.iota {dimensions = array<i32: 0>} : vector<16xi32>
    %add3A_6 = arith.constant 0 : i32
    %add3A_7 = arith.addi %mul3A_2, %add3A_6 : i32
    %add3A_8 = vector.broadcast %add3A_7 : i32 to vector<16xi32>
    %add3A_9 = arith.addi %add3A_8, %iota3A : vector<16xi32>
    %mul3A_10 = arith.constant 200 : i32
    %mul3A_11 = vector.broadcast %mul3A_10 : i32 to vector<16xi32>
    %mul3A_12 = arith.muli %add3A_9, %mul3A_11 : vector<16xi32>
    %swap3A = arith.constant 0 : index
    %swap3A_13 = tpu.vector_load %arg6[%swap3A] {strides = array<i32>} : memref<128xi32, #tpu.memory_space<vmem>>, vector<16xi32>,
    %swap3A_14 = vector.shape_cast %swap3A_13 : vector<16xi32> to vector<16xi32>
    %swap3A_15 = vector.shape_cast %mul3A_12 : vector<16xi32> to vector<16xi32>
    tpu.vector_store %arg6[%swap3A], %swap3A_15 {strides = array<i32>} : memref<128xi32, #tpu.memory_space<vmem>>, vector<16xi32>,
    %add3A_16 = arith.constant 16 : i32
    %add3A_17 = arith.addi %mul3A_2, %add3A_16 : i32
    %add3A_18 = vector.broadcast %add3A_17 : i32 to vector<16xi32>
    %add3A_19 = arith.addi %add3A_18, %iota3A : vector<16xi32>
    %mul3A_20 = arith.constant 200 : i32
    %mul3A_21 = vector.broadcast %mul3A_20 : i32 to vector<16xi32>
    %mul3A_22 = arith.muli %add3A_19, %mul3A_21 : vector<16xi32>
    %swap3A_23 = arith.constant 16 : index
    %swap3A_24 = tpu.vector_load %arg6[%swap3A_23] {strides = array<i32>} : memref<128xi32, #tpu.memory_space<vmem>>, vector<16xi32>,
    %swap3A_25 = vector.shape_cast %swap3A_24 : vector<16xi32> to vector<16xi32>
    %swap3A_26 = vector.shape_cast %mul3A_22 : vector<16xi32> to vector<16xi32>
    tpu.vector_store %arg6[%swap3A_23], %swap3A_26 {strides = array<i32>} : memref<128xi32, #tpu.memory_space<vmem>>, vector<16xi32>,
    %add3A_27 = arith.constant 32 : i32
    %add3A_28 = arith.addi %mul3A_2, %add3A_27 : i32
    %add3A_29 = vector.broadcast %add3A_28 : i32 to vector<16xi32>
    %add3A_30 = arith.addi %add3A_29, %iota3A : vector<16xi32>
    %mul3A_31 = arith.constant 200 : i32
    %mul3A_32 = vector.broadcast %mul3A_31 : i32 to vector<16xi32>
    %mul3A_33 = arith.muli %add3A_30, %mul3A_32 : vector<16xi32>
    %swap3A_34 = arith.constant 32 : index
    %swap3A_35 = tpu.vector_load %arg6[%swap3A_34] {strides = array<i32>} : memref<128xi32, #tpu.memory_space<vmem>>, vector<16xi32>,
    %swap3A_36 = vector.shape_cast %swap3A_35 : vector<16xi32> to vector<16xi32>
    %swap3A_37 = vector.shape_cast %mul3A_33 : vector<16xi32> to vector<16xi32>
    tpu.vector_store %arg6[%swap3A_34], %swap3A_37 {strides = array<i32>} : memref<128xi32, #tpu.memory_space<vmem>>, vector<16xi32>,
    %add3A_38 = arith.constant 48 : i32
    %add3A_39 = arith.addi %mul3A_2, %add3A_38 : i32
    %add3A_40 = vector.broadcast %add3A_39 : i32 to vector<16xi32>
    %add3A_41 = arith.addi %add3A_40, %iota3A : vector<16xi32>
    %mul3A_42 = arith.constant 200 : i32
    %mul3A_43 = vector.broadcast %mul3A_42 : i32 to vector<16xi32>
    %mul3A_44 = arith.muli %add3A_41, %mul3A_43 : vector<16xi32>
    %swap3A_45 = arith.constant 48 : index
    %swap3A_46 = tpu.vector_load %arg6[%swap3A_45] {strides = array<i32>} : memref<128xi32, #tpu.memory_space<vmem>>, vector<16xi32>,
    %swap3A_47 = vector.shape_cast %swap3A_46 : vector<16xi32> to vector<16xi32>
    %swap3A_48 = vector.shape_cast %mul3A_44 : vector<16xi32> to vector<16xi32>
    tpu.vector_store %arg6[%swap3A_45], %swap3A_48 {strides = array<i32>} : memref<128xi32, #tpu.memory_space<vmem>>, vector<16xi32>,
    %add3A_49 = arith.constant 64 : i32
    %add3A_50 = arith.addi %mul3A_2, %add3A_49 : i32
    %add3A_51 = vector.broadcast %add3A_50 : i32 to vector<16xi32>
    %add3A_52 = arith.addi %add3A_51, %iota3A : vector<16xi32>
    %mul3A_53 = arith.constant 200 : i32
    %mul3A_54 = vector.broadcast %mul3A_53 : i32 to vector<16xi32>
    %mul3A_55 = arith.muli %add3A_52, %mul3A_54 : vector<16xi32>
    %swap3A_56 = arith.constant 64 : index
    %swap3A_57 = tpu.vector_load %arg6[%swap3A_56] {strides = array<i32>} : memref<128xi32, #tpu.memory_space<vmem>>, vector<16xi32>,
    %swap3A_58 = vector.shape_cast %swap3A_57 : vector<16xi32> to vector<16xi32>
    %swap3A_59 = vector.shape_cast %mul3A_55 : vector<16xi32> to vector<16xi32>
    tpu.vector_store %arg6[%swap3A_56], %swap3A_59 {strides = array<i32>} : memref<128xi32, #tpu.memory_space<vmem>>, vector<16xi32>,
    %add3A_60 = arith.constant 80 : i32
    %add3A_61 = arith.addi %mul3A_2, %add3A_60 : i32
    %add3A_62 = vector.broadcast %add3A_61 : i32 to vector<16xi32>
    %add3A_63 = arith.addi %add3A_62, %iota3A : vector<16xi32>
    %mul3A_64 = arith.constant 200 : i32
    %mul3A_65 = vector.broadcast %mul3A_64 : i32 to vector<16xi32>
    %mul3A_66 = arith.muli %add3A_63, %mul3A_65 : vector<16xi32>
    %swap3A_67 = arith.constant 80 : index
    %swap3A_68 = tpu.vector_load %arg6[%swap3A_67] {strides = array<i32>} : memref<128xi32, #tpu.memory_space<vmem>>, vector<16xi32>,
    %swap3A_69 = vector.shape_cast %swap3A_68 : vector<16xi32> to vector<16xi32>
    %swap3A_70 = vector.shape_cast %mul3A_66 : vector<16xi32> to vector<16xi32>
    tpu.vector_store %arg6[%swap3A_67], %swap3A_70 {strides = array<i32>} : memref<128xi32, #tpu.memory_space<vmem>>, vector<16xi32>,
    %add3A_71 = arith.constant 96 : i32
    %add3A_72 = arith.addi %mul3A_2, %add3A_71 : i32
    %add3A_73 = vector.broadcast %add3A_72 : i32 to vector<16xi32>
    %add3A_74 = arith.addi %add3A_73, %iota3A : vector<16xi32>
    %mul3A_75 = arith.constant 200 : i32
    %mul3A_76 = vector.broadcast %mul3A_75 : i32 to vector<16xi32>
    %mul3A_77 = arith.muli %add3A_74, %mul3A_76 : vector<16xi32>
    %swap3A_78 = arith.constant 96 : index
    %swap3A_79 = tpu.vector_load %arg6[%swap3A_78] {strides = array<i32>} : memref<128xi32, #tpu.memory_space<vmem>>, vector<16xi32>,
    %swap3A_80 = vector.shape_cast %swap3A_79 : vector<16xi32> to vector<16xi32>
    %swap3A_81 = vector.shape_cast %mul3A_77 : vector<16xi32> to vector<16xi32>
    tpu.vector_store %arg6[%swap3A_78], %swap3A_81 {strides = array<i32>} : memref<128xi32, #tpu.memory_space<vmem>>, vector<16xi32>,
    %add3A_82 = arith.constant 112 : i32
    %add3A_83 = arith.addi %mul3A_2, %add3A_82 : i32
    %add3A_84 = vector.broadcast %add3A_83 : i32 to vector<16xi32>
    %add3A_85 = arith.addi %add3A_84, %iota3A : vector<16xi32>
    %mul3A_86 = arith.constant 200 : i32
    %mul3A_87 = vector.broadcast %mul3A_86 : i32 to vector<16xi32>
    %mul3A_88 = arith.muli %add3A_85, %mul3A_87 : vector<16xi32>
    %swap3A_89 = arith.constant 112 : index
    %swap3A_90 = tpu.vector_load %arg6[%swap3A_89] {strides = array<i32>} : memref<128xi32, #tpu.memory_space<vmem>>, vector<16xi32>,
    %swap3A_91 = vector.shape_cast %swap3A_90 : vector<16xi32> to vector<16xi32>
    %swap3A_92 = vector.shape_cast %mul3A_88 : vector<16xi32> to vector<16xi32>
    tpu.vector_store %arg6[%swap3A_89], %swap3A_92 {strides = array<i32>} : memref<128xi32, #tpu.memory_space<vmem>>, vector<16xi32>,
    %dma_wait3A = arith.constant 0 : i32
    %dma_wait3A_93 = tpu.memref_slice %arg2[%mul3A_2, %dma_wait3A] : memref<4096x128xf32, #tpu.memory_space<hbm>> -> memref<128x128xf32, #tpu.memory_space<hbm>>
    %dma_wait3A_94 = arith.constant 0 : i32
    %dma_wait3A_95 = tpu.memref_slice %arg2[%mul3A_2, %dma_wait3A_94] : memref<4096x128xf32, #tpu.memory_space<hbm>> -> memref<128x128xf32, #tpu.memory_space<hbm>>
    tpu.wait_dma2 semaphore(%arg8 : memref<!tpu.dma_semaphore, #tpu.memory_space<semaphore_mem>>) src(%dma_wait3A_95 : memref<128x128xf32, #tpu.memory_space<hbm>>) dst(%arg5 : memref<128x128xf32, #tpu.memory_space<vmem>>)
    %dma_start3A_96 = arith.constant 0 : i32
    %dma_start3A_97 = arith.constant 0 : i32
    %dma_start3A_98 = tpu.memref_slice %arg3[%dma_start3A_96, %dma_start3A_97] : memref<819200x128xf32, #tpu.memory_space<hbm>> -> memref<819200x128xf32, #tpu.memory_space<hbm>>
    tpu.enqueue_indirect_dma source(%arg5 : memref<128x128xf32, #tpu.memory_space<vmem>>) target(%dma_start3A_98 : memref<819200x128xf32, #tpu.memory_space<hbm>>) offsets(%arg6 : memref<128xi32, #tpu.memory_space<vmem>>) semaphore(%arg7 : memref<!tpu.dma_semaphore, #tpu.memory_space<semaphore_mem>>)
    %dma_wait3A_99 = arith.constant 0 : i32
    %dma_wait3A_100 = arith.constant 0 : i32
    %dma_wait3A_101 = tpu.memref_slice %arg3[%dma_wait3A_99, %dma_wait3A_100] : memref<819200x128xf32, #tpu.memory_space<hbm>> -> memref<819200x128xf32, #tpu.memory_space<hbm>>
    tpu.wait_indirect_dma semaphore(%arg7 : memref<!tpu.dma_semaphore, #tpu.memory_space<semaphore_mem>>) src(%arg5 : memref<128x128xf32, #tpu.memory_space<vmem>>) dst(%dma_wait3A_101 : memref<819200x128xf32, #tpu.memory_space<hbm>>)
    return
  }
}

module attributes {stable_mosaic.version = 14 : i64} {
  func.func @_zero_body(%arg0: i32, %arg1: memref<64x200x128xf32, #tpu.memory_space<vmem>>, %arg2: memref<1x200xi32, #tpu.memory_space<vmem>>) attributes {dimension_semantics = [#tpu.dimension_semantics<parallel>], iteration_bounds = array<i64: 64>, scalar_prefetch = 0 : i64, scratch_operands = 0 : i64, tpu.core_type = #tpu.core_type<tc>, window_params = [{transform_indices = @transform_0, window_bounds = array<i64: 64, 200, 128>}, {pipeline_mode = #tpu.pipeline_mode<synchronous>, transform_indices = @transform_1, window_bounds = array<i64: 1, 200>}]} {
    %broadcast_in_dim3A = arith.constant 0.000000e+00 : f32
    %broadcast_in_dim3A_0 = vector.broadcast %broadcast_in_dim3A : f32 to vector<64x200x128xf32>
    %swap3A = arith.constant 0 : index
    %swap3A_1 = arith.constant 0 : index
    %swap3A_2 = arith.constant 0 : index
    %swap3A_3 = vector.load %arg1[%swap3A, %swap3A_1, %swap3A_2] : memref<64x200x128xf32, #tpu.memory_space<vmem>>, vector<64x200x128xf32>
    tpu.vector_store %arg1[%swap3A, %swap3A_1, %swap3A_2], %broadcast_in_dim3A_0 {strides = array<i32>} : memref<64x200x128xf32, #tpu.memory_space<vmem>>, vector<64x200x128xf32>,
    %iota3A = tpu.iota {dimensions = array<i32: 1>} : vector<1x200xi32>
    %ge3A = arith.constant 199 : i32
    %ge3A_4 = vector.broadcast %ge3A : i32 to vector<1x200xi32>
    %ge3A_5 = arith.cmpi sge, %iota3A, %ge3A_4 : vector<1x200xi32>
    %swap3A_6 = arith.constant 0 : index
    %swap3A_7 = arith.constant 0 : index
    %swap3A_8 = vector.load %arg2[%swap3A_6, %swap3A_7] : memref<1x200xi32, #tpu.memory_space<vmem>>, vector<1x200xi32>
    %swap3A_9 = arith.extui %ge3A_5 : vector<1x200xi1> to vector<1x200xi32>
    %swap3A_10 = arith.constant dense<0> : vector<1x200xi32>
    %swap3A_11 = arith.cmpi ne, %swap3A_8, %swap3A_10 : vector<1x200xi32>
    tpu.vector_store %arg2[%swap3A_6, %swap3A_7], %swap3A_9 {strides = array<i32>} : memref<1x200xi32, #tpu.memory_space<vmem>>, vector<1x200xi32>,
    return
  }
  func.func @transform_0(%arg0: i32) -> (i32, i32, i32) {
    %c0_i32 = arith.constant 0 : i32
    %c0_i32_0 = arith.constant 0 : i32
    %c0_i32_1 = arith.constant 0 : i32
    return %arg0, %c0_i32, %c0_i32_0 : i32, i32, i32
  }
  func.func @transform_1(%arg0: i32) -> (i32, i32) {
    %c0_i32 = arith.constant 0 : i32
    %c0_i32_0 = arith.constant 0 : i32
    %c0_i32_1 = arith.constant 0 : i32
    return %c0_i32, %c0_i32_0 : i32, i32
  }
}

</mosaic_0001>

<sc_bundles>
// kernel: kernel.4.cloned.1.call-start
scs
__scs_entry_jumppad:
0x0: {  	(pc) =	sbr.rel $0x88, $3  }
0x1: {  	(tag) =	ssettag $0x0;
	lr =	simm.s32 $0x1  }
0x2: {  	[smem:$0x3FA0] =	sst lr;
	_ =	strace $0xD0000000  }
0x3: {  	_ = 	snop  }
0x4: {  	_ = 	snop  }
0x5: {  	_ = 	snop  }
0x6: {  	_ = 	snop  }
0x7: {  	_ = 	snop  }
__scs_overlays_trampoline_lowered:
0x8: {  	[smem:$0x3FAF] =	sst s0  }
0x9: {  	[smem:$0x3FB0] =	sst s1  }
0xa: {  	[smem:$0x3FB1] =	sst s2  }
0xb: {  	[smem:$0x3FB2] =	sst s3  }
0xc: {  	[smem:$0x3FB3] =	sst s4  }
0xd: {  	[smem:$0x3FB4] =	sst s5  }
0xe: {  	[smem:$0x3FB5] =	sst s6  }
0xf: {  	[smem:$0x3FB6] =	sst s7  }
0x10: {  	[smem:$0x3FB7] =	sst s8  }
0x11: {  	[smem:$0x3FB8] =	sst s9;
	s0 =	simm.s32 @!p0 $0x0  }
0x12: {  	s1 =	sld [smem:$0x3F9E];
	s0 =	simm.s32 @p0 $0x1  }
0x13: {  	[smem:$0x3FB9] =	sst s0;
	s0 =	simm.s32 @!p1 $0x0  }
0x14: {  	s2 =	sld [smem:$0x3F9D];
	s0 =	simm.s32 @p1 $0x1  }
0x15: {  	[smem:$0x3FBA] =	sst s0;
	s0 =	simm.s32 @!p2 $0x0  }
0x16: {  	s3 =	sld [smem:$0x3FDB];
	s0 =	simm.s32 @p2 $0x1  }
0x17: {  	s4 =	simm.s32 $0x1BF5;
	[smem:$0x3FBC] =	sst s0  }
0x18: {  	s0 =	sld [smem:$0x3F9F];
	_ =	swait.ge [sflag:s4], $0x0  }
0x19: {  	s7 =	sld [smem:$0x3FA0]  }
0x1a: {  	s8 =	sadd.s32 $0xFFFFE003, lr  }
0x1b: {  	s9 =	sadd.s32 $0xFFFFFEF7, lr;
	s5 =	simm.s32 $0xFFFFFFFF;
	p2 =	slt.u32 s8, $0xFFFFF086  }
0x1c: {  	p1 =	slt.u32 s9, $0xF7A;
	s5 =	simm.s32 @!p2 $0x0  }
0x1d: {  	s5 =	simm.s32 @p1 $0x1;
	p0 =	seq.s32 s7, s2  }
0x1e: {  	s7 =	smul.u32 @!p0 $0xF7A, s2;
	p2 =	seq.s32 @!p0 s5, $0x0  }
0x1f: {  	s9 =	smul.u32 $0xF7A, s1;
	s8 =	simm.s32 @!p0 $0x1BF5;
	p2 =	por !p2, p0  }
0x20: {  	[sflag:s8] =	ssyncset.s32 @!p0 $0xFFFFF086;
	s6 =	sadd.s32 @!p0 s3, s7;
	s7 =	simm.s32 @!p0 $0x108  }
0x21: {  	s3 =	sadd.s32 s3, s9;
	s6 =	sadd.s32 @!p0 $0x88, s6;
	s7 =	simm.s32 @p2 $0x1082  }
0x22: {  	[simem:s7], [sflag:s8] =	dma.local @!p0 [hbm:s6], $0xF7A  }
0x23: {  	s9 =	sor.u32 $0xD0000000, s2;
	s6 =	simm.s32 $0x108;
	_ =	swait.ge @!p0 [sflag:s8], $0x0  }
0x24: {  	s3 =	sadd.s32 $0x88, s3;
	s6 =	simm.s32 @!p1 $0x1082;
	[sflag:s4] =	ssyncset.s32 $0xFFFFF086  }
0x25: {  	[simem:s6], [sflag:s4] =	dma.local [hbm:s3], $0xF7A  }
0x26: {  	[smem:$0x3FA0] =	sst s1;
	(tag) =	ssettag s2;
	_ =	strace s9  }
0x27: {  	s1 =	sld [smem:$0x3FB0]  }
0x28: {  	s2 =	sld [smem:$0x3FB1]  }
0x29: {  	s4 =	sld [smem:$0x3FB3]  }
0x2a: {  	p0 =	seq.s32 s5, $0x0;
	s5 =	sld [smem:$0x3FB4]  }
0x2b: {  	s6 =	sld [smem:$0x3FB5]  }
0x2c: {  	s7 =	sld [smem:$0x3FB6]  }
0x2d: {  	s3 =	simm.s32 $0x108;
	s8 =	sld [smem:$0x3FB7]  }
0x2e: {  	s3 =	simm.s32 @!p0 $0x1082;
	s9 =	sld [smem:$0x3FB8]  }
0x2f: {  	lr =	sadd.s32 s0, s3;
	s0 =	sld [smem:$0x3FAF]  }
0x30: {  	s3 =	sld [smem:$0x3FB2]  }
0x31: {  	[smem:$0x3FBB] =	sst s10  }
0x32: {  	s10 =	sld [smem:$0x3FB9];
	_ =	sdelay $0x3  }
0x33: {  	p0 =	seq.s32 s10, $0x1;
	s10 =	sld [smem:$0x3FBB];
	_ =	sdelay $0x3  }
0x34: {  	[smem:$0x3FBB] =	sst s10  }
0x35: {  	s10 =	sld [smem:$0x3FBA];
	_ =	sdelay $0x3  }
0x36: {  	p1 =	seq.s32 s10, $0x1;
	s10 =	sld [smem:$0x3FBB];
	_ =	sdelay $0x3  }
0x37: {  	[smem:$0x3FBB] =	sst s10  }
0x38: {  	s10 =	sld [smem:$0x3FBC]  }
0x39: {  	_ = 	snop;
	(pc) =	sbr.ind lr, $3  }
0x3a: {  	_ = 	snop  }
0x3b: {  	_ = 	snop  }
0x3c: {  	p2 =	seq.s32 s10, $0x1;
	s10 =	sld [smem:$0x3FBB]  }
0x3d: {  	_ =	shalt  }
0x3e: {  	_ =	shalt  }
0x3f: {  	_ =	shalt  }
0x40: {  	_ =	shalt  }
0x41: {  	_ =	shalt  }
0x42: {  	_ =	shalt  }
0x43: {  	_ =	shalt  }
0x44: {  	_ =	shalt  }
0x45: {  	_ =	shalt  }
0x46: {  	_ =	shalt  }
0x47: {  	_ =	shalt  }
0x48: {  	_ =	shalt  }
0x49: {  	_ =	shalt  }
0x4a: {  	_ =	shalt  }
0x4b: {  	_ =	shalt  }
0x4c: {  	_ =	shalt  }
0x4d: {  	_ =	shalt  }
0x4e: {  	_ =	shalt  }
0x4f: {  	_ =	shalt  }
0x50: {  	_ =	shalt  }
0x51: {  	_ =	shalt  }
0x52: {  	_ =	shalt  }
0x53: {  	_ =	shalt  }
0x54: {  	_ =	shalt  }
0x55: {  	_ =	shalt  }
0x56: {  	_ =	shalt  }
0x57: {  	_ =	shalt  }
0x58: {  	_ =	shalt  }
0x59: {  	_ =	shalt  }
0x5a: {  	_ =	shalt  }
0x5b: {  	_ =	shalt  }
0x5c: {  	_ =	shalt  }
0x5d: {  	_ =	shalt  }
0x5e: {  	_ =	shalt  }
0x5f: {  	_ =	shalt  }
0x60: {  	_ =	shalt  }
0x61: {  	_ =	shalt  }
0x62: {  	_ =	shalt  }
0x63: {  	_ =	shalt  }
0x64: {  	_ =	shalt  }
0x65: {  	_ =	shalt  }
0x66: {  	_ =	shalt  }
0x67: {  	_ =	shalt  }
0x68: {  	_ =	shalt  }
0x69: {  	_ =	shalt  }
0x6a: {  	_ =	shalt  }
0x6b: {  	_ =	shalt  }
0x6c: {  	_ =	shalt  }
0x6d: {  	_ =	shalt  }
0x6e: {  	_ =	shalt  }
0x6f: {  	_ =	shalt  }
0x70: {  	_ =	shalt  }
0x71: {  	_ =	shalt  }
0x72: {  	_ =	shalt  }
0x73: {  	_ =	shalt  }
0x74: {  	_ =	shalt  }
0x75: {  	_ =	shalt  }
0x76: {  	_ =	shalt  }
0x77: {  	_ =	shalt  }
0x78: {  	_ =	shalt  }
0x79: {  	_ =	shalt  }
0x7a: {  	_ =	shalt  }
0x7b: {  	_ =	shalt  }
0x7c: {  	_ =	shalt  }
0x7d: {  	_ =	shalt  }
0x7e: {  	_ =	shalt  }
0x7f: {  	_ =	shalt  }
0x80: {  	_ =	shalt  }
0x81: {  	_ =	shalt  }
0x82: {  	_ =	shalt  }
0x83: {  	_ =	shalt  }
0x84: {  	_ =	shalt  }
0x85: {  	_ =	shalt  }
0x86: {  	_ =	shalt  }
0x87: {  	_ =	shalt  }
.Lfunc_end0:
.L_simem_size_0:
called_computation_lowered:
.L_overlay_start_0:
0x88: {  	s2 =	sld [smem:$0x3FD9]  }
0x89: {  	s3 =	sld [smem:$0x3FFE];
	_ =	sdelay $0x1  }
0x8a: {  	s1 =	srdreg.scid  }
0x8b: {  	s0 =	sand.u32 $0x1, s1  }
0x8c: {  	s15 =	sshll.u32 s0, $0xA;
	s2 =	sadd.s32 s3, s2  }
0x8d: {  	s2 =	sadd.s32 s2, s15  }
0x8e: {  	[smem:$0x3FC7] =	sst s2  }
0x8f: {  	_ = 	snop  }
0x90: {  	s2 =	sld [smem:$0x3FD0];
	_ =	sdelay $0x2  }
0x91: {  	s4 =	simm.s32 $0xA;
	s5 =	simm.s32 $0x10;
	s16 =	sld [smem:$0x3FC9]  }
0x92: {  	[smem:s5], [sflag:s4] =	dma.local [hbm:s2], $0x1  }
0x93: {  	_ =	swait.eq [sflag:s4], $0x1  }
0x94: {  	[sflag:s4] =	ssyncset.done $0x0  }
0x95: {  	[sflag:s4] =	ssyncadd.s32 $0xFFFFFFFF  }
0x96: {  	s17 =	sld [smem:$0x10];
	(tm) =	ssettm $0x1  }
0x97: {  	s18 =	sld [smem:$0x3FFB];
	_ =	sdelay $0x3  }
0x98: {  	_ =	strace s18  }
0x99: {  	s4 =	sld [smem:$0x3FFC];
	_ =	sdelay $0x3  }
0x9a: {  	_ =	strace s4  }
0x9b: {  	s4 =	sld [smem:$0x3FFD];
	_ =	sdelay $0x3  }
0x9c: {  	_ =	strace s4  }
0x9d: {  	_ =	strace $0x8FFFFFFF  }
0x9e: {  	s19 =	sld [smem:$0x3FDB];
	_ =	sdelay $0x1  }
0x9f: {  	s20 =	simm.s32 $_scs_section_size  }
0xa0: {  	s6 =	simm.s32 $_size__tile_overlayer_lowered;
	s7 =	simm.s32 $_tile_overlayer_lowered  }
0xa1: {  	s23 =	simm.s32 $0x1BFF;
	s22 =	sshll.u32 s7, $0x1;
	s4 =	sadd.s32 s20, s19  }
0xa2: {  	s8 =	simm.s32 $0x0;
	s21 =	sshll.u32 s6, $0x1;
	s6 =	sadd.s32 s22, s4  }
0xa3: {  	[timem:s8], [sflag:s23] =	dma.local [hbm:s6], s21  }
0xa4: {  	_ =	swait.ge [sflag:s23], s21  }
0xa5: {  	s5 =	ssub.s32 $0x0, s21;
	[sflag:s23] =	ssyncset.done $0x0  }
0xa6: {  	[sflag:s23] =	ssyncadd.s32 s5;
	_ =	sdelay $0x1  }
0xa7: {  	s24 =	simm.s32 $0x1B8B  }
0xa8: {  	_ =	swait.ge [sflag:s24], $0x1  }
0xa9: {  	[sflag:s24] =	ssyncset.done $0x0  }
0xaa: {  	s25 =	simm.s32 $0x1B8E;
	[sflag:s24] =	ssyncadd.s32 $0xFFFFFFFF  }
0xab: {  	s26 =	simm.s32 $execute0_lowered;
	[smem:$0x3FD2] =	sst s25  }
0xac: {  	s5 =	sshll.u32 s26, $0x1;
	_ =	strace $0x80000046;
	[dreg:$0x1] =	wrdreg $0xFFFFFFFF  }
0xad: {  	s28 =	simm.s32 $_size_execute0_lowered;
	s4 =	sadd.s32 s4, s5;
	[dreg:$0x0] =	wrdreg $0x0  }
0xae: {  	s5 =	sshll.u32 s28, $0x1;
	[dreg:$0x2] =	wrdreg s4  }
0xaf: {  	[dreg:$0x3] =	wrdreg s5  }
0xb0: {  	[dreg:$0x4] =	wrdreg $0xC0  }
0xb1: {  	_ =	task [dreg:s8], $0x5FFFF  }
0xb2: {  	[dreg:$0x1] =	wrdreg $0xFFFFFFFF  }
0xb3: {  	[dreg:$0x0] =	wrdreg $0x60  }
0xb4: {  	[dreg:$0x2] =	wrdreg s16  }
0xb5: {  	[dreg:$0x3] =	wrdreg s17  }
0xb6: {  	[dreg:$0x4] =	wrdreg $0x9  }
0xb7: {  	_ =	task.clear_ibuf [dreg:s8], $0x5FFFF;
	_ =	strace $0x90000046  }
0xb8: {  	s29 =	simm.s32 $0x9;
	_ =	strace $0x80000048  }
0xb9: {  	_ =	swait.ge [sflag:s29], $0x1  }
0xba: {  	[sflag:s29] =	ssyncadd.s32 $0xFFFFFFFF  }
0xbb: {  	_ =	strace $0x90000048  }
0xbc: {  	_ =	sfence  }
0xbd: {  	s30 =	sld [smem:$0x0];
	_ =	sdelay $0x2  }
0xbe: {  	s31 =	sshll.u32 s1, $0xD;
	s1 =	sshrl.u32 s1, $0x2  }
0xbf: {  	s3 =	sand.u32 $0x4000, s31;
	s1 =	sadd.s32 s1, s30  }
0xc0: {  	s0 =	sor.u32 s3, s0;
	s1 =	sshll.u32 s1, $0x11  }
0xc1: {  	s0 =	sor.u32 s1, s0  }
0xc2: {  	s0 =	sadd.s32 $0x8F2B, s0  }
0xc3: {  	[sflag:s0] =	ssyncadd.remote.s32 $0x1  }
0xc4: {  	_ =	sfence.sel $0xFFFF  }
0xc5: {  	[dreg:$0x0] =	wrdreg $0xFFFFFFFF;
	(pc) =	sbr.abs _section_cstart, $3  }
0xc6: {  	[dreg:$0x1] =	wrdreg $0xFFFFFFFF  }
0xc7: {  	_ =	task.clear_ibuf [dreg:s8], $0x2FFFF;
	_ =	strace $0x9FFFFFFF  }
0xc8: {  	(tm) =	ssettm $0x7FFFFFFF  }
0xc9: {  	_ =	shalt  }
tec
execute0_lowered:
.L_overlay_start_1:
0x0: {  	(tag) =	ssettag $0x1  }
0x1: {  	s1 =	srdreg.scid  }
0x2: {  	s0 =	stileid.u32;
	s5 =	sand.u32 $0x1, s1  }
0x3: {  	s26 =	sshll.u32 s0, $0x8;
	s2 =	sshll.u32 s5, $0x7  }
0x4: {  	s6 =	sor.u32 s2, s26  }
0x5: {  	v0 =	vmov s6  }
0x6: {  	s1 =	sor.u32 $0x70, s6;
	s7 =	sor.u32 $0x20, s6;
	s8 =	sor.u32 $0x50, s6;
	v4 =	vmul.u32 $0xC8, v0;
	v0 =	vlaneseq.u32  }
0x7: {  	s28 =	sor.u32 $0x40, s6;
	s9 =	sor.u32 $0x30, s6;
	v1 =	vmov s1;
	v2 =	vmov s7;
	v3 =	vmov s8  }
0x8: {  	s4 =	rddreg [dreg:$0x0];
	s5 =	ssub.s32 $0x2, s5;
	s3 =	sor.u32 $0x60, s6;
	v5 =	vmov s28;
	v6 =	vmov s9;
	v1 =	vmul.u32 $0xC8, v1  }
0x9: {  	s2 =	rddreg [dreg:$0x1];
	s30 =	sshrl.u32 s5, $0x1;
	v7 =	vmul.u32 $0xC8, v0;
	v0 =	vmov s3;
	s3 =	simm.s32 $0x0;
	v3 =	vmul.u32 $0xC8, v3  }
0xa: {  	s29 =	sshll.u32 s6, $0x4;
	s5 =	ssub.s32 s5, s30;
	v5 =	vmul.u32 $0xC8, v5;
	v0 =	vmul.u32 $0xC8, v0;
	[smem:$0x7FF] =	sst s3;
	v1 =	vbroadcast v1, $0x0  }
0xb: {  	s1 =	rddreg [dreg:$0x2];
	s4 =	sadd.s32 s4, s29;
	v6 =	vmul.u32 $0xC8, v6;
	v9 =	vmul.u32 $0xC8, v2;
	_ =	strace $0x80000047;
	v3 =	vbroadcast v3, $0x0  }
0xc: {  	v5 =	vbroadcast v5, $0x0;
	v8 =	vbroadcast v0, $0x0;
	[tilespmem:s3], [sflag:$0x2] =	stream.linear.gather [hbm4b:s4+s3], $0x4000, $0x38;
	v0 =	vadd.s32 v7, v1;
	[tilespmem:$0x4080] =	vst v63  }
0xd: {  	s6 =	sor.u32 $0x10, s6;
	s31 =	smax.u32 s5, $0x1;
	v6 =	vbroadcast v6, $0x0;
	v9 =	vbroadcast v9, $0x0;
	v2 =	vadd.s32 v7, v3;
	[tilespmem:$0x4070] =	vst v0  }
0xe: {  	p0 =	sne.s32 s31, $0x1;
	v3 =	vadd.s32 v7, v5;
	v1 =	vadd.s32 v7, v8;
	v8 =	vmov s6;
	[tilespmem:$0x4050] =	vst v2  }
.Ltmp0:
0xf: {  	v10 =	vbroadcast v4, $0x0;
	v4 =	vadd.s32 v7, v6;
	[tilespmem:$0x4040] =	vst v3;
	v8 =	vmul.u32 $0xC8, v8;
	(pc) =	sbr.rel @!p0 .LBB2_2-.Ltmp0, $4  }
0x10: {  	v5 =	vadd.s32 v7, v9;
	[tilespmem:$0x4030] =	vst v4  }
0x11: {  	v6 =	vadd.s32 v7, v10;
	[tilespmem:$0x4020] =	vst v5;
	v8 =	vbroadcast v8, $0x0  }
0x12: {  	s5 =	simm.s32 $0x2;
	s8 =	simm.s32 $0x4000;
	[tilespmem:$0x4000] =	vst v6  }
0x13: {  	s7 =	simm.s32 $0x1;
	s9 =	sadd.s32 $0xFFFFFFFF, s31;
	s6 =	simm.s32 $0x80;
	[tilespmem:$0x4060] =	vst v1;
	v7 =	vadd.s32 v7, v8  }
.LBB2_1:
0x14: {  	p0 =	sne.s32 s9, $0x1;
	s9 =	sadd.s32 $0xFFFFFFFF, s9;
	[tilespmem:$0x4010] =	vst v7  }
0x15: {  	_ =	swait.ge [sflag:s5], $0x4000  }
0x16: {  	[sflag:s5] =	ssyncset.done $0x0  }
0x17: {  	[sflag:s5] =	ssyncadd.s32 $0xFFFFC000  }
0x18: {  	[hbm4b:s2+s6] =	stream.indirect.scatter [tilespmem:s3], [sflag:$0x1], $0x80, s8, s6, $0xb8;
	[tilespmem:$0x4080] =	vst v63  }
0x19: {  	_ =	swait.ge [sflag:s7], $0x4000  }
0x1a: {  	[sflag:s7] =	ssyncset.done $0x0  }
0x1b: {  	[sflag:s7] =	ssyncadd.s32 $0xFFFFC000  }
0x1c: {  	[tilespmem:s3], [sflag:$0x2] =	stream.linear.gather [hbm4b:s4+s3], $0x4000, $0x38;
	[tilespmem:$0x4080] =	vst v63  }
0x1d: {  	[tilespmem:$0x4070] =	vst v0  }
0x1e: {  	[tilespmem:$0x4060] =	vst v1  }
.Ltmp1:
0x1f: {  	[tilespmem:$0x4050] =	vst v2;
	(pc) =	sbr.rel @p0 .LBB2_1-.Ltmp1, $4  }
0x20: {  	[tilespmem:$0x4040] =	vst v3  }
0x21: {  	[tilespmem:$0x4030] =	vst v4  }
0x22: {  	[tilespmem:$0x4020] =	vst v5  }
0x23: {  	[tilespmem:$0x4000] =	vst v6  }
.LBB2_2:
0x24: {  	[tilespmem:$0x4010] =	vst v7  }
0x25: {  	_ =	swait.ge [sflag:s5], $0x4000  }
0x26: {  	[sflag:s5] =	ssyncset.done $0x0  }
0x27: {  	[sflag:s5] =	ssyncadd.s32 $0xFFFFC000  }
0x28: {  	[hbm4b:s2+s6] =	stream.indirect.scatter [tilespmem:s3], [sflag:$0x1], $0x80, s8, s6, $0xb8;
	[tilespmem:$0x4080] =	vst v63  }
0x29: {  	_ =	swait.ge [sflag:s7], $0x4000  }
0x2a: {  	[sflag:s7] =	ssyncset.done $0x0  }
0x2b: {  	[sflag:s7] =	ssyncadd.s32 $0xFFFFC000  }
0x2c: {  	_ =	sfence.sel $0x180000  }
0x2d: {  	[bflag:$0x0] =	sbarrier.arrive $0xFFFF  }
0x2e: {  	p0 =	sne.s32 s0, $0x0;
	_ =	strace $0x90000047  }
0x2f: {  	s0 =	sadd.s32 @!p0 $0x100000, s1;
	[bflag:$0x2] =	sbarrier.arrive $0xFFFF  }
0x30: {  	[sflag:s0] =	ssyncadd.tile.s32 @!p0 $0x1;
	_ =	shalt  }
.Lfunc_end2:
_tile_overlayer_lowered:
.L_overlay_start_2:
0x31: {  	(tag) =	ssettag $0x2  }
0x32: {  	s0 =	rddreg [dreg:$0x0];
	s2 =	stileid.u32  }
0x33: {  	s1 =	rddreg [dreg:$0x1];
	p0 =	sne.s32 s2, $0x0  }
0x34: {  	s3 =	rddreg [dreg:$0x2];
	[bflag:$0x3] =	sbarrier.arrive $0xFFFF;
	s2 =	simm.s32 @!p0 $0x1C03  }
0x35: {  	[timem:s3], [sflag:s2] =	dma.local @!p0 [hbm:s0], s1  }
0x36: {  	s0 =	simm.s32 @!p0 $0x3  }
0x37: {  	_ =	swait.ge @!p0 [sflag:s0], s1  }
0x38: {  	s1 =	ssub.s32 @!p0 $0x0, s1;
	[sflag:s0] =	ssyncset.done @!p0 $0x0  }
0x39: {  	[sflag:s0] =	ssyncadd.s32 @!p0 s1  }
0x3a: {  	[bflag:$0x3] =	sbarrier.arrive $0xFFFF  }
0x3b: {  	_ =	shalt  }

</sc_bundles>
